<compile_context>
chip_gen: v7x
topology: tpu7x:2x2x1
jax: 0.10.2.dev20260603
libtpu: 0.0.44.dev20260713+nightly
codegen_flags: <defaults>
</compile_context>

<pallas_src>
import functools

import jax
import jax.numpy as jnp
from jax import lax
from jax.experimental import pallas as pl
from jax.experimental.pallas import tpu as pltpu
from jax.experimental.pallas import tpu_sc as plsc

NC = 2
NS = 16
LANES = 16
WORKERS = NC * NS


def _vfull(val):
    return jnp.full((LANES,), val, dtype=jnp.int32)


def _sc_gather_body(depth, lvl_pad, rows_pw, batch,
                    flat_hbm, ci_hbm, out_hbm, ci_v, idx_v, gat_v, sem):
    slots = rows_pw * lvl_pad
    r_bits = rows_pw.bit_length() - 1
    wid = lax.axis_index("s") * NC + lax.axis_index("c")
    wid_v = _vfull(wid)
    vpw = LANES // rows_pw
    off = pl.multiple_of((wid // vpw) * LANES, LANES)
    pltpu.sync_copy(ci_hbm.at[pl.ds(off, LANES)], ci_v)
    c16 = ci_v[pl.ds(0, LANES)]
    iota = lax.iota(jnp.int32, LANES)
    r = jnp.bitwise_and(iota, _vfull(rows_pw - 1))
    lane0 = lax.mul(jnp.bitwise_and(wid_v, _vfull(vpw - 1)),
                    _vfull(rows_pw))
    c = lax.gather(
        c16, lax.add(lane0, r)[:, None],
        lax.GatherDimensionNumbers(offset_dims=(), collapsed_slice_dims=(0,),
                                   start_index_map=(0,)),
        slice_sizes=(1,), mode=lax.GatherScatterMode.PROMISE_IN_BOUNDS)
    grow = lax.add(lax.mul(wid_v, _vfull(rows_pw)), r)
    for j in range(slots // LANES):
        s = lax.add(iota, _vfull(j * LANES))
        lvl = lax.shift_right_logical(s, _vfull(r_bits))
        shift = lax.max(lax.sub(_vfull(depth - 1), lvl), _vfull(0))
        bit = jnp.bitwise_and(lax.shift_right_logical(c, shift), _vfull(1))
        col = lax.add(lax.sub(lax.shift_left(_vfull(1), lvl), _vfull(1)), bit)
        flat = lax.add(lax.mul(col, _vfull(batch)), grow)
        flat = lax.select(lax.lt(lvl, _vfull(depth)), flat, _vfull(0))
        idx_v[pl.ds(j * LANES, LANES)] = flat
    pltpu.async_copy(flat_hbm.at[idx_v], gat_v, sem).wait()
    pltpu.sync_copy(gat_v, out_hbm.at[pl.ds(wid * slots, slots)])


def _tc_reduce_body(depth, lvl_pad, rows_pw, batch, g_ref, o_ref):
    x = g_ref[...]
    slot = lax.iota(jnp.int32, x.shape[0]) % (rows_pw * lvl_pad)
    lvl = slot // rows_pw
    sp = jnp.where(lvl < depth, jax.nn.softplus(-x), 0.0)
    o_ref[...] = (jnp.sum(sp) / batch).reshape(1, 1)


def kernel(scores, class_indices):
    batch, vocab = scores.shape
    depth = max(1, (vocab - 1).bit_length())
    rows_pw = batch // WORKERS
    lvl_pad = depth
    while (rows_pw * lvl_pad) % LANES:
        lvl_pad += 1
    slots = rows_pw * lvl_pad

    mesh = plsc.VectorSubcoreMesh(core_axis_name="c", subcore_axis_name="s",
                                  num_cores=NC, num_subcores=NS)
    sc_gather = pl.kernel(
        functools.partial(_sc_gather_body, depth, lvl_pad, rows_pw, batch),
        out_type=jax.ShapeDtypeStruct((WORKERS * slots,), jnp.float32),
        mesh=mesh,
        scratch_types=[
            pltpu.VMEM((LANES,), jnp.int32),
            pltpu.VMEM((slots,), jnp.int32),
            pltpu.VMEM((slots,), jnp.float32),
            pltpu.SemaphoreType.DMA,
        ],
        compiler_params=pltpu.CompilerParams(skip_device_barrier=True),
    )
    gathered = sc_gather(scores.T.reshape(-1), class_indices)

    loss = pl.pallas_call(
        functools.partial(_tc_reduce_body, depth, lvl_pad, rows_pw, batch),
        out_shape=jax.ShapeDtypeStruct((1, 1), jnp.float32),
    )(gathered)
    return loss[0, 0]

# --- scband reference (transcript-rebuilt; emitter-appended) ---
"""Pipeline reference for scband-hierarchical-softmax-loss-77532749627815 (READ-ONLY COPY).

The authoritative reference and input builder live on the scoring server;
editing this copy changes nothing except your own understanding.
"""

import math
import jax, jax.numpy as jnp
import numpy as np


def setup_inputs(seed: int = 0) -> dict:
    key = jax.random.key(seed)
    k1, k2 = jax.random.split(key)
    scores = jax.random.normal(k1, (128, 100000), dtype=jnp.float32)
    class_indices = jax.random.randint(k2, (128,), 0, 100000, dtype=jnp.int32)
    return {"scores": scores, "class_indices": class_indices}


def reference(scores, class_indices):
    batch_size, dict_size = scores.shape
    tree_probs = jax.nn.sigmoid(scores)
    pad = jnp.ones((batch_size, 1), dtype=scores.dtype)
    padded_probs = jnp.concatenate([pad, tree_probs], axis=1)
    code_len = math.ceil(math.log(dict_size, 2))
    # bit i (from MSB) uses mask 2**(code_len-1-i); cur_index at level i is 2**i
    levels = jnp.arange(code_len, dtype=jnp.int32)
    shifts = (code_len - 1) - levels  # [L]
    bits = (class_indices[:, None] >> shifts[None, :]) & 1  # [B, L]
    cur_index = (2 ** levels).astype(jnp.int32)  # [L]
    left_t = jnp.where(bits == 0, cur_index[None, :], 0)  # [B, L]
    right_t = jnp.where(bits == 1, cur_index[None, :] + 1, 0)  # [B, L]
    left_part = jnp.take_along_axis(padded_probs, left_t, axis=1)
    left_p = jnp.prod(left_part, axis=1)
    right_part = jnp.take_along_axis(padded_probs, right_t, axis=1)
    right_p = jnp.prod(right_part, axis=1)
    probs = left_p * right_p
    return jnp.sum(-jnp.log(probs)) / batch_size

if __name__ == "__main__":
    import jax
    _d = setup_inputs()
    print(jax.jit(kernel)(*tuple(_d.values())))

</pallas_src>

<mosaic_0001>
#map = affine_map<(d0, d1) -> (0)>
module attributes {stable_mosaic.version = 14 : i64} {
  func.func @_sc_gather_body(%arg0: i32, %arg1: i32, %arg2: memref<12800000xf32, #tpu.memory_space<hbm>>, %arg3: memref<128xi32, #tpu.memory_space<hbm>>, %arg4: memref<2560xf32, #tpu.memory_space<hbm>>, %arg5: memref<16xi32, #tpu.memory_space<vmem>>, %arg6: memref<80xi32, #tpu.memory_space<vmem>>, %arg7: memref<80xf32, #tpu.memory_space<vmem>>, %arg8: memref<!tpu.dma_semaphore, #tpu.memory_space<semaphore_mem>>) attributes {dimension_semantics = [#tpu.dimension_semantics<core_parallel>, #tpu.dimension_semantics<subcore_parallel>], iteration_bounds = array<i64: 2, 16>, scalar_prefetch = 0 : i64, scratch_operands = 4 : i64, tpu.core_type = #tpu.core_type<sc_vector_subcore>, window_params = [{transform_indices = #map}, {transform_indices = #map}, {transform_indices = #map}]} {
    %mul3A = arith.constant 2 : i32
    %mul3A_0 = arith.muli %arg1, %mul3A : i32
    %add3A = arith.addi %mul3A_0, %arg0 : i32
    %broadcast_in_dim3A = vector.broadcast %add3A : i32 to vector<16xi32>
    %jit3A = arith.constant 4 : i32
    %div3A = arith.divsi %add3A, %jit3A : i32
    %sign3A = arith.constant 0 : i32
    %sign3A_1 = arith.cmpi sgt, %add3A, %sign3A : i32
    %sign3A_2 = arith.extui %sign3A_1 : i1 to i32
    %sign3A_3 = arith.constant 0 : i32
    %sign3A_4 = arith.cmpi slt, %add3A, %sign3A_3 : i32
    %sign3A_5 = arith.extui %sign3A_4 : i1 to i32
    %sign3A_6 = arith.subi %sign3A_2, %sign3A_5 : i32
    %sign3A_7 = arith.constant 0 : i32
    %sign3A_8 = arith.cmpi sgt, %jit3A, %sign3A_7 : i32
    %sign3A_9 = arith.extui %sign3A_8 : i1 to i32
    %sign3A_10 = arith.constant 0 : i32
    %sign3A_11 = arith.cmpi slt, %jit3A, %sign3A_10 : i32
    %sign3A_12 = arith.extui %sign3A_11 : i1 to i32
    %sign3A_13 = arith.subi %sign3A_9, %sign3A_12 : i32
    %ne3A = arith.cmpi ne, %sign3A_6, %sign3A_13 : i32
    %rem3A = arith.remsi %add3A, %jit3A : i32
    %ne3A_14 = arith.constant 0 : i32
    %ne3A_15 = arith.cmpi ne, %rem3A, %ne3A_14 : i32
    %and3A = arith.andi %ne3A, %ne3A_15 : i1
    %sub3A = arith.constant 1 : i32
    %sub3A_16 = arith.subi %div3A, %sub3A : i32
    %select_n3A = arith.select %and3A, %sub3A_16, %div3A : i32
    %mul3A_17 = arith.constant 16 : i32
    %mul3A_18 = arith.muli %select_n3A, %mul3A_17 : i32
    %multiple_of3A = tpu.assume_multiple %mul3A_18, 16 : i32
    "tpu.region"() ({
      %run_scoped3A = tpu.sem_alloc : memref<!tpu.dma_semaphore, #tpu.memory_space<semaphore_mem>>
      %dma_start3A_221 = tpu.memref_slice %arg3[%multiple_of3A] : memref<128xi32, #tpu.memory_space<hbm>> -> memref<16xi32, #tpu.memory_space<hbm>>
      %dma_start3A_222 = tpu.memref_slice %arg3[%multiple_of3A] : memref<128xi32, #tpu.memory_space<hbm>> -> memref<16xi32, #tpu.memory_space<hbm>>
      tpu.enqueue_dma source(%dma_start3A_222 : memref<16xi32, #tpu.memory_space<hbm>>) target(%arg5 : memref<16xi32, #tpu.memory_space<vmem>>) target_semaphore(%run_scoped3A : memref<!tpu.dma_semaphore, #tpu.memory_space<semaphore_mem>>)
      %dma_wait3A_223 = tpu.memref_slice %arg3[%multiple_of3A] : memref<128xi32, #tpu.memory_space<hbm>> -> memref<16xi32, #tpu.memory_space<hbm>>
      %dma_wait3A_224 = tpu.memref_slice %arg3[%multiple_of3A] : memref<128xi32, #tpu.memory_space<hbm>> -> memref<16xi32, #tpu.memory_space<hbm>>
      tpu.wait_dma2 semaphore(%run_scoped3A : memref<!tpu.dma_semaphore, #tpu.memory_space<semaphore_mem>>) src(%dma_wait3A_224 : memref<16xi32, #tpu.memory_space<hbm>>) dst(%arg5 : memref<16xi32, #tpu.memory_space<vmem>>)
      tpu.yield
    }) : () -> ()
    %get3A = arith.constant 0 : index
    %get3A_19 = tpu.vector_load %arg5[%get3A] {strides = array<i32>} : memref<16xi32, #tpu.memory_space<vmem>>, vector<16xi32>,
    %get3A_20 = vector.shape_cast %get3A_19 : vector<16xi32> to vector<16xi32>
    %iota3A = tpu.iota {dimensions = array<i32: 0>} : vector<16xi32>
    %broadcast_in_dim3A_21 = arith.constant 3 : i32
    %broadcast_in_dim3A_22 = vector.broadcast %broadcast_in_dim3A_21 : i32 to vector<16xi32>
    %and3A_23 = arith.andi %iota3A, %broadcast_in_dim3A_22 : vector<16xi32>
    %broadcast_in_dim3A_24 = arith.constant 3 : i32
    %broadcast_in_dim3A_25 = vector.broadcast %broadcast_in_dim3A_24 : i32 to vector<16xi32>
    %and3A_26 = arith.andi %broadcast_in_dim3A, %broadcast_in_dim3A_25 : vector<16xi32>
    %broadcast_in_dim3A_27 = arith.constant 4 : i32
    %broadcast_in_dim3A_28 = vector.broadcast %broadcast_in_dim3A_27 : i32 to vector<16xi32>
    %mul3A_29 = arith.muli %and3A_26, %broadcast_in_dim3A_28 : vector<16xi32>
    %add3A_30 = arith.addi %mul3A_29, %and3A_23 : vector<16xi32>
    %broadcast_in_dim3A_31 = vector.shape_cast %add3A_30 : vector<16xi32> to vector<16x1xi32>
    %gather3A = vector.shape_cast %broadcast_in_dim3A_31 : vector<16x1xi32> to vector<16xi32>
    %gather3A_32 = tpu.dynamic_gather %get3A_20[%gather3A] in [0] : vector<16xi32>, vector<16xi32> -> vector<16xi32>
    %broadcast_in_dim3A_33 = arith.constant 4 : i32
    %broadcast_in_dim3A_34 = vector.broadcast %broadcast_in_dim3A_33 : i32 to vector<16xi32>
    %mul3A_35 = arith.muli %broadcast_in_dim3A, %broadcast_in_dim3A_34 : vector<16xi32>
    %add3A_36 = arith.addi %mul3A_35, %and3A_23 : vector<16xi32>
    %broadcast_in_dim3A_37 = arith.constant 0 : i32
    %broadcast_in_dim3A_38 = vector.broadcast %broadcast_in_dim3A_37 : i32 to vector<16xi32>
    %add3A_39 = arith.addi %iota3A, %broadcast_in_dim3A_38 : vector<16xi32>
    %broadcast_in_dim3A_40 = arith.constant 2 : i32
    %broadcast_in_dim3A_41 = vector.broadcast %broadcast_in_dim3A_40 : i32 to vector<16xi32>
    %shift_right_logical3A = arith.shrui %add3A_39, %broadcast_in_dim3A_41 : vector<16xi32>
    %broadcast_in_dim3A_42 = arith.constant 16 : i32
    %broadcast_in_dim3A_43 = vector.broadcast %broadcast_in_dim3A_42 : i32 to vector<16xi32>
    %sub3A_44 = arith.subi %broadcast_in_dim3A_43, %shift_right_logical3A : vector<16xi32>
    %broadcast_in_dim3A_45 = arith.constant 0 : i32
    %broadcast_in_dim3A_46 = vector.broadcast %broadcast_in_dim3A_45 : i32 to vector<16xi32>
    %max3A = arith.maxsi %sub3A_44, %broadcast_in_dim3A_46 : vector<16xi32>
    %shift_right_logical3A_47 = arith.shrui %gather3A_32, %max3A : vector<16xi32>
    %broadcast_in_dim3A_48 = arith.constant 1 : i32
    %broadcast_in_dim3A_49 = vector.broadcast %broadcast_in_dim3A_48 : i32 to vector<16xi32>
    %and3A_50 = arith.andi %shift_right_logical3A_47, %broadcast_in_dim3A_49 : vector<16xi32>
    %broadcast_in_dim3A_51 = arith.constant 1 : i32
    %broadcast_in_dim3A_52 = vector.broadcast %broadcast_in_dim3A_51 : i32 to vector<16xi32>
    %shift_left3A = arith.shli %broadcast_in_dim3A_52, %shift_right_logical3A : vector<16xi32>
    %broadcast_in_dim3A_53 = arith.constant 1 : i32
    %broadcast_in_dim3A_54 = vector.broadcast %broadcast_in_dim3A_53 : i32 to vector<16xi32>
    %sub3A_55 = arith.subi %shift_left3A, %broadcast_in_dim3A_54 : vector<16xi32>
    %add3A_56 = arith.addi %sub3A_55, %and3A_50 : vector<16xi32>
    %broadcast_in_dim3A_57 = arith.constant 128 : i32
    %broadcast_in_dim3A_58 = vector.broadcast %broadcast_in_dim3A_57 : i32 to vector<16xi32>
    %mul3A_59 = arith.muli %add3A_56, %broadcast_in_dim3A_58 : vector<16xi32>
    %add3A_60 = arith.addi %mul3A_59, %add3A_36 : vector<16xi32>
    %broadcast_in_dim3A_61 = arith.constant 17 : i32
    %broadcast_in_dim3A_62 = vector.broadcast %broadcast_in_dim3A_61 : i32 to vector<16xi32>
    %lt3A = arith.cmpi slt, %shift_right_logical3A, %broadcast_in_dim3A_62 : vector<16xi32>
    %broadcast_in_dim3A_63 = arith.constant 0 : i32
    %broadcast_in_dim3A_64 = vector.broadcast %broadcast_in_dim3A_63 : i32 to vector<16xi32>
    %select_n3A_65 = arith.select %lt3A, %add3A_60, %broadcast_in_dim3A_64 : vector<16xi1>, vector<16xi32>
    %swap3A = arith.constant 0 : index
    %swap3A_66 = tpu.vector_load %arg6[%swap3A] {strides = array<i32>} : memref<80xi32, #tpu.memory_space<vmem>>, vector<16xi32>,
    %swap3A_67 = vector.shape_cast %swap3A_66 : vector<16xi32> to vector<16xi32>
    %swap3A_68 = vector.shape_cast %select_n3A_65 : vector<16xi32> to vector<16xi32>
    tpu.vector_store %arg6[%swap3A], %swap3A_68 {strides = array<i32>} : memref<80xi32, #tpu.memory_space<vmem>>, vector<16xi32>,
    %broadcast_in_dim3A_69 = arith.constant 16 : i32
    %broadcast_in_dim3A_70 = vector.broadcast %broadcast_in_dim3A_69 : i32 to vector<16xi32>
    %add3A_71 = arith.addi %iota3A, %broadcast_in_dim3A_70 : vector<16xi32>
    %broadcast_in_dim3A_72 = arith.constant 2 : i32
    %broadcast_in_dim3A_73 = vector.broadcast %broadcast_in_dim3A_72 : i32 to vector<16xi32>
    %shift_right_logical3A_74 = arith.shrui %add3A_71, %broadcast_in_dim3A_73 : vector<16xi32>
    %broadcast_in_dim3A_75 = arith.constant 16 : i32
    %broadcast_in_dim3A_76 = vector.broadcast %broadcast_in_dim3A_75 : i32 to vector<16xi32>
    %sub3A_77 = arith.subi %broadcast_in_dim3A_76, %shift_right_logical3A_74 : vector<16xi32>
    %broadcast_in_dim3A_78 = arith.constant 0 : i32
    %broadcast_in_dim3A_79 = vector.broadcast %broadcast_in_dim3A_78 : i32 to vector<16xi32>
    %max3A_80 = arith.maxsi %sub3A_77, %broadcast_in_dim3A_79 : vector<16xi32>
    %shift_right_logical3A_81 = arith.shrui %gather3A_32, %max3A_80 : vector<16xi32>
    %broadcast_in_dim3A_82 = arith.constant 1 : i32
    %broadcast_in_dim3A_83 = vector.broadcast %broadcast_in_dim3A_82 : i32 to vector<16xi32>
    %and3A_84 = arith.andi %shift_right_logical3A_81, %broadcast_in_dim3A_83 : vector<16xi32>
    %broadcast_in_dim3A_85 = arith.constant 1 : i32
    %broadcast_in_dim3A_86 = vector.broadcast %broadcast_in_dim3A_85 : i32 to vector<16xi32>
    %shift_left3A_87 = arith.shli %broadcast_in_dim3A_86, %shift_right_logical3A_74 : vector<16xi32>
    %broadcast_in_dim3A_88 = arith.constant 1 : i32
    %broadcast_in_dim3A_89 = vector.broadcast %broadcast_in_dim3A_88 : i32 to vector<16xi32>
    %sub3A_90 = arith.subi %shift_left3A_87, %broadcast_in_dim3A_89 : vector<16xi32>
    %add3A_91 = arith.addi %sub3A_90, %and3A_84 : vector<16xi32>
    %broadcast_in_dim3A_92 = arith.constant 128 : i32
    %broadcast_in_dim3A_93 = vector.broadcast %broadcast_in_dim3A_92 : i32 to vector<16xi32>
    %mul3A_94 = arith.muli %add3A_91, %broadcast_in_dim3A_93 : vector<16xi32>
    %add3A_95 = arith.addi %mul3A_94, %add3A_36 : vector<16xi32>
    %broadcast_in_dim3A_96 = arith.constant 17 : i32
    %broadcast_in_dim3A_97 = vector.broadcast %broadcast_in_dim3A_96 : i32 to vector<16xi32>
    %lt3A_98 = arith.cmpi slt, %shift_right_logical3A_74, %broadcast_in_dim3A_97 : vector<16xi32>
    %broadcast_in_dim3A_99 = arith.constant 0 : i32
    %broadcast_in_dim3A_100 = vector.broadcast %broadcast_in_dim3A_99 : i32 to vector<16xi32>
    %select_n3A_101 = arith.select %lt3A_98, %add3A_95, %broadcast_in_dim3A_100 : vector<16xi1>, vector<16xi32>
    %swap3A_102 = arith.constant 16 : index
    %swap3A_103 = tpu.vector_load %arg6[%swap3A_102] {strides = array<i32>} : memref<80xi32, #tpu.memory_space<vmem>>, vector<16xi32>,
    %swap3A_104 = vector.shape_cast %swap3A_103 : vector<16xi32> to vector<16xi32>
    %swap3A_105 = vector.shape_cast %select_n3A_101 : vector<16xi32> to vector<16xi32>
    tpu.vector_store %arg6[%swap3A_102], %swap3A_105 {strides = array<i32>} : memref<80xi32, #tpu.memory_space<vmem>>, vector<16xi32>,
    %broadcast_in_dim3A_106 = arith.constant 32 : i32
    %broadcast_in_dim3A_107 = vector.broadcast %broadcast_in_dim3A_106 : i32 to vector<16xi32>
    %add3A_108 = arith.addi %iota3A, %broadcast_in_dim3A_107 : vector<16xi32>
    %broadcast_in_dim3A_109 = arith.constant 2 : i32
    %broadcast_in_dim3A_110 = vector.broadcast %broadcast_in_dim3A_109 : i32 to vector<16xi32>
    %shift_right_logical3A_111 = arith.shrui %add3A_108, %broadcast_in_dim3A_110 : vector<16xi32>
    %broadcast_in_dim3A_112 = arith.constant 16 : i32
    %broadcast_in_dim3A_113 = vector.broadcast %broadcast_in_dim3A_112 : i32 to vector<16xi32>
    %sub3A_114 = arith.subi %broadcast_in_dim3A_113, %shift_right_logical3A_111 : vector<16xi32>
    %broadcast_in_dim3A_115 = arith.constant 0 : i32
    %broadcast_in_dim3A_116 = vector.broadcast %broadcast_in_dim3A_115 : i32 to vector<16xi32>
    %max3A_117 = arith.maxsi %sub3A_114, %broadcast_in_dim3A_116 : vector<16xi32>
    %shift_right_logical3A_118 = arith.shrui %gather3A_32, %max3A_117 : vector<16xi32>
    %broadcast_in_dim3A_119 = arith.constant 1 : i32
    %broadcast_in_dim3A_120 = vector.broadcast %broadcast_in_dim3A_119 : i32 to vector<16xi32>
    %and3A_121 = arith.andi %shift_right_logical3A_118, %broadcast_in_dim3A_120 : vector<16xi32>
    %broadcast_in_dim3A_122 = arith.constant 1 : i32
    %broadcast_in_dim3A_123 = vector.broadcast %broadcast_in_dim3A_122 : i32 to vector<16xi32>
    %shift_left3A_124 = arith.shli %broadcast_in_dim3A_123, %shift_right_logical3A_111 : vector<16xi32>
    %broadcast_in_dim3A_125 = arith.constant 1 : i32
    %broadcast_in_dim3A_126 = vector.broadcast %broadcast_in_dim3A_125 : i32 to vector<16xi32>
    %sub3A_127 = arith.subi %shift_left3A_124, %broadcast_in_dim3A_126 : vector<16xi32>
    %add3A_128 = arith.addi %sub3A_127, %and3A_121 : vector<16xi32>
    %broadcast_in_dim3A_129 = arith.constant 128 : i32
    %broadcast_in_dim3A_130 = vector.broadcast %broadcast_in_dim3A_129 : i32 to vector<16xi32>
    %mul3A_131 = arith.muli %add3A_128, %broadcast_in_dim3A_130 : vector<16xi32>
    %add3A_132 = arith.addi %mul3A_131, %add3A_36 : vector<16xi32>
    %broadcast_in_dim3A_133 = arith.constant 17 : i32
    %broadcast_in_dim3A_134 = vector.broadcast %broadcast_in_dim3A_133 : i32 to vector<16xi32>
    %lt3A_135 = arith.cmpi slt, %shift_right_logical3A_111, %broadcast_in_dim3A_134 : vector<16xi32>
    %broadcast_in_dim3A_136 = arith.constant 0 : i32
    %broadcast_in_dim3A_137 = vector.broadcast %broadcast_in_dim3A_136 : i32 to vector<16xi32>
    %select_n3A_138 = arith.select %lt3A_135, %add3A_132, %broadcast_in_dim3A_137 : vector<16xi1>, vector<16xi32>
    %swap3A_139 = arith.constant 32 : index
    %swap3A_140 = tpu.vector_load %arg6[%swap3A_139] {strides = array<i32>} : memref<80xi32, #tpu.memory_space<vmem>>, vector<16xi32>,
    %swap3A_141 = vector.shape_cast %swap3A_140 : vector<16xi32> to vector<16xi32>
    %swap3A_142 = vector.shape_cast %select_n3A_138 : vector<16xi32> to vector<16xi32>
    tpu.vector_store %arg6[%swap3A_139], %swap3A_142 {strides = array<i32>} : memref<80xi32, #tpu.memory_space<vmem>>, vector<16xi32>,
    %broadcast_in_dim3A_143 = arith.constant 48 : i32
    %broadcast_in_dim3A_144 = vector.broadcast %broadcast_in_dim3A_143 : i32 to vector<16xi32>
    %add3A_145 = arith.addi %iota3A, %broadcast_in_dim3A_144 : vector<16xi32>
    %broadcast_in_dim3A_146 = arith.constant 2 : i32
    %broadcast_in_dim3A_147 = vector.broadcast %broadcast_in_dim3A_146 : i32 to vector<16xi32>
    %shift_right_logical3A_148 = arith.shrui %add3A_145, %broadcast_in_dim3A_147 : vector<16xi32>
    %broadcast_in_dim3A_149 = arith.constant 16 : i32
    %broadcast_in_dim3A_150 = vector.broadcast %broadcast_in_dim3A_149 : i32 to vector<16xi32>
    %sub3A_151 = arith.subi %broadcast_in_dim3A_150, %shift_right_logical3A_148 : vector<16xi32>
    %broadcast_in_dim3A_152 = arith.constant 0 : i32
    %broadcast_in_dim3A_153 = vector.broadcast %broadcast_in_dim3A_152 : i32 to vector<16xi32>
    %max3A_154 = arith.maxsi %sub3A_151, %broadcast_in_dim3A_153 : vector<16xi32>
    %shift_right_logical3A_155 = arith.shrui %gather3A_32, %max3A_154 : vector<16xi32>
    %broadcast_in_dim3A_156 = arith.constant 1 : i32
    %broadcast_in_dim3A_157 = vector.broadcast %broadcast_in_dim3A_156 : i32 to vector<16xi32>
    %and3A_158 = arith.andi %shift_right_logical3A_155, %broadcast_in_dim3A_157 : vector<16xi32>
    %broadcast_in_dim3A_159 = arith.constant 1 : i32
    %broadcast_in_dim3A_160 = vector.broadcast %broadcast_in_dim3A_159 : i32 to vector<16xi32>
    %shift_left3A_161 = arith.shli %broadcast_in_dim3A_160, %shift_right_logical3A_148 : vector<16xi32>
    %broadcast_in_dim3A_162 = arith.constant 1 : i32
    %broadcast_in_dim3A_163 = vector.broadcast %broadcast_in_dim3A_162 : i32 to vector<16xi32>
    %sub3A_164 = arith.subi %shift_left3A_161, %broadcast_in_dim3A_163 : vector<16xi32>
    %add3A_165 = arith.addi %sub3A_164, %and3A_158 : vector<16xi32>
    %broadcast_in_dim3A_166 = arith.constant 128 : i32
    %broadcast_in_dim3A_167 = vector.broadcast %broadcast_in_dim3A_166 : i32 to vector<16xi32>
    %mul3A_168 = arith.muli %add3A_165, %broadcast_in_dim3A_167 : vector<16xi32>
    %add3A_169 = arith.addi %mul3A_168, %add3A_36 : vector<16xi32>
    %broadcast_in_dim3A_170 = arith.constant 17 : i32
    %broadcast_in_dim3A_171 = vector.broadcast %broadcast_in_dim3A_170 : i32 to vector<16xi32>
    %lt3A_172 = arith.cmpi slt, %shift_right_logical3A_148, %broadcast_in_dim3A_171 : vector<16xi32>
    %broadcast_in_dim3A_173 = arith.constant 0 : i32
    %broadcast_in_dim3A_174 = vector.broadcast %broadcast_in_dim3A_173 : i32 to vector<16xi32>
    %select_n3A_175 = arith.select %lt3A_172, %add3A_169, %broadcast_in_dim3A_174 : vector<16xi1>, vector<16xi32>
    %swap3A_176 = arith.constant 48 : index
    %swap3A_177 = tpu.vector_load %arg6[%swap3A_176] {strides = array<i32>} : memref<80xi32, #tpu.memory_space<vmem>>, vector<16xi32>,
    %swap3A_178 = vector.shape_cast %swap3A_177 : vector<16xi32> to vector<16xi32>
    %swap3A_179 = vector.shape_cast %select_n3A_175 : vector<16xi32> to vector<16xi32>
    tpu.vector_store %arg6[%swap3A_176], %swap3A_179 {strides = array<i32>} : memref<80xi32, #tpu.memory_space<vmem>>, vector<16xi32>,
    %broadcast_in_dim3A_180 = arith.constant 64 : i32
    %broadcast_in_dim3A_181 = vector.broadcast %broadcast_in_dim3A_180 : i32 to vector<16xi32>
    %add3A_182 = arith.addi %iota3A, %broadcast_in_dim3A_181 : vector<16xi32>
    %broadcast_in_dim3A_183 = arith.constant 2 : i32
    %broadcast_in_dim3A_184 = vector.broadcast %broadcast_in_dim3A_183 : i32 to vector<16xi32>
    %shift_right_logical3A_185 = arith.shrui %add3A_182, %broadcast_in_dim3A_184 : vector<16xi32>
    %broadcast_in_dim3A_186 = arith.constant 16 : i32
    %broadcast_in_dim3A_187 = vector.broadcast %broadcast_in_dim3A_186 : i32 to vector<16xi32>
    %sub3A_188 = arith.subi %broadcast_in_dim3A_187, %shift_right_logical3A_185 : vector<16xi32>
    %broadcast_in_dim3A_189 = arith.constant 0 : i32
    %broadcast_in_dim3A_190 = vector.broadcast %broadcast_in_dim3A_189 : i32 to vector<16xi32>
    %max3A_191 = arith.maxsi %sub3A_188, %broadcast_in_dim3A_190 : vector<16xi32>
    %shift_right_logical3A_192 = arith.shrui %gather3A_32, %max3A_191 : vector<16xi32>
    %broadcast_in_dim3A_193 = arith.constant 1 : i32
    %broadcast_in_dim3A_194 = vector.broadcast %broadcast_in_dim3A_193 : i32 to vector<16xi32>
    %and3A_195 = arith.andi %shift_right_logical3A_192, %broadcast_in_dim3A_194 : vector<16xi32>
    %broadcast_in_dim3A_196 = arith.constant 1 : i32
    %broadcast_in_dim3A_197 = vector.broadcast %broadcast_in_dim3A_196 : i32 to vector<16xi32>
    %shift_left3A_198 = arith.shli %broadcast_in_dim3A_197, %shift_right_logical3A_185 : vector<16xi32>
    %broadcast_in_dim3A_199 = arith.constant 1 : i32
    %broadcast_in_dim3A_200 = vector.broadcast %broadcast_in_dim3A_199 : i32 to vector<16xi32>
    %sub3A_201 = arith.subi %shift_left3A_198, %broadcast_in_dim3A_200 : vector<16xi32>
    %add3A_202 = arith.addi %sub3A_201, %and3A_195 : vector<16xi32>
    %broadcast_in_dim3A_203 = arith.constant 128 : i32
    %broadcast_in_dim3A_204 = vector.broadcast %broadcast_in_dim3A_203 : i32 to vector<16xi32>
    %mul3A_205 = arith.muli %add3A_202, %broadcast_in_dim3A_204 : vector<16xi32>
    %add3A_206 = arith.addi %mul3A_205, %add3A_36 : vector<16xi32>
    %broadcast_in_dim3A_207 = arith.constant 17 : i32
    %broadcast_in_dim3A_208 = vector.broadcast %broadcast_in_dim3A_207 : i32 to vector<16xi32>
    %lt3A_209 = arith.cmpi slt, %shift_right_logical3A_185, %broadcast_in_dim3A_208 : vector<16xi32>
    %broadcast_in_dim3A_210 = arith.constant 0 : i32
    %broadcast_in_dim3A_211 = vector.broadcast %broadcast_in_dim3A_210 : i32 to vector<16xi32>
    %select_n3A_212 = arith.select %lt3A_209, %add3A_206, %broadcast_in_dim3A_211 : vector<16xi1>, vector<16xi32>
    %swap3A_213 = arith.constant 64 : index
    %swap3A_214 = tpu.vector_load %arg6[%swap3A_213] {strides = array<i32>} : memref<80xi32, #tpu.memory_space<vmem>>, vector<16xi32>,
    %swap3A_215 = vector.shape_cast %swap3A_214 : vector<16xi32> to vector<16xi32>
    %swap3A_216 = vector.shape_cast %select_n3A_212 : vector<16xi32> to vector<16xi32>
    tpu.vector_store %arg6[%swap3A_213], %swap3A_216 {strides = array<i32>} : memref<80xi32, #tpu.memory_space<vmem>>, vector<16xi32>,
    %dma_start3A = arith.constant 0 : i32
    %dma_start3A_217 = tpu.memref_slice %arg2[%dma_start3A] : memref<12800000xf32, #tpu.memory_space<hbm>> -> memref<12800000xf32, #tpu.memory_space<hbm>>
    tpu.enqueue_indirect_dma source(%dma_start3A_217 : memref<12800000xf32, #tpu.memory_space<hbm>>) target(%arg7 : memref<80xf32, #tpu.memory_space<vmem>>) offsets(%arg6 : memref<80xi32, #tpu.memory_space<vmem>>) semaphore(%arg8 : memref<!tpu.dma_semaphore, #tpu.memory_space<semaphore_mem>>)
    %dma_wait3A = arith.constant 0 : i32
    %dma_wait3A_218 = tpu.memref_slice %arg2[%dma_wait3A] : memref<12800000xf32, #tpu.memory_space<hbm>> -> memref<12800000xf32, #tpu.memory_space<hbm>>
    tpu.wait_indirect_dma semaphore(%arg8 : memref<!tpu.dma_semaphore, #tpu.memory_space<semaphore_mem>>) src(%dma_wait3A_218 : memref<12800000xf32, #tpu.memory_space<hbm>>) dst(%arg7 : memref<80xf32, #tpu.memory_space<vmem>>)
    %mul3A_219 = arith.constant 80 : i32
    %mul3A_220 = arith.muli %add3A, %mul3A_219 : i32
    "tpu.region"() ({
      %run_scoped3A = tpu.sem_alloc : memref<!tpu.dma_semaphore, #tpu.memory_space<semaphore_mem>>
      %dma_start3A_221 = tpu.memref_slice %arg4[%mul3A_220] : memref<2560xf32, #tpu.memory_space<hbm>> -> memref<80xf32, #tpu.memory_space<hbm>>
      %dma_start3A_222 = tpu.memref_slice %arg4[%mul3A_220] : memref<2560xf32, #tpu.memory_space<hbm>> -> memref<80xf32, #tpu.memory_space<hbm>>
      tpu.enqueue_dma source(%arg7 : memref<80xf32, #tpu.memory_space<vmem>>) target(%dma_start3A_222 : memref<80xf32, #tpu.memory_space<hbm>>) target_semaphore(%run_scoped3A : memref<!tpu.dma_semaphore, #tpu.memory_space<semaphore_mem>>)
      %dma_wait3A_223 = tpu.memref_slice %arg4[%mul3A_220] : memref<2560xf32, #tpu.memory_space<hbm>> -> memref<80xf32, #tpu.memory_space<hbm>>
      %dma_wait3A_224 = tpu.memref_slice %arg4[%mul3A_220] : memref<2560xf32, #tpu.memory_space<hbm>> -> memref<80xf32, #tpu.memory_space<hbm>>
      tpu.wait_dma2 semaphore(%run_scoped3A : memref<!tpu.dma_semaphore, #tpu.memory_space<semaphore_mem>>) src(%arg7 : memref<80xf32, #tpu.memory_space<vmem>>) dst(%dma_wait3A_224 : memref<80xf32, #tpu.memory_space<hbm>>)
      tpu.yield
    }) : () -> ()
    return
  }
}

module attributes {stable_mosaic.version = 14 : i64} {
  func.func @_tc_reduce_body(%arg0: memref<2560xf32, #tpu.memory_space<vmem>>, %arg1: memref<1x1xf32, #tpu.memory_space<vmem>>) attributes {dimension_semantics = [], scalar_prefetch = 0 : i64, scratch_operands = 0 : i64, tpu.core_type = #tpu.core_type<tc>} {
    %get3A = arith.constant 0 : index
    %get3A_0 = vector.load %arg0[%get3A] : memref<2560xf32, #tpu.memory_space<vmem>>, vector<2560xf32>
    %iota3A = tpu.iota {dimensions = array<i32: 1>} : vector<1x2560xi32>
    %iota3A_1 = vector.shape_cast %iota3A : vector<1x2560xi32> to vector<2560xi32>
    %jit3A = arith.constant 80 : i32
    %eq3A = arith.constant 0 : i32
    %eq3A_2 = arith.cmpi eq, %jit3A, %eq3A : i32
    %jit3A_3 = arith.constant 1 : i32
    %select_n3A = arith.select %eq3A_2, %jit3A_3, %jit3A : i32
    %rem3A = vector.broadcast %select_n3A : i32 to vector<2560xi32>
    %rem3A_4 = arith.remsi %iota3A_1, %rem3A : vector<2560xi32>
    %ne3A = arith.constant 0 : i32
    %ne3A_5 = vector.broadcast %ne3A : i32 to vector<2560xi32>
    %ne3A_6 = arith.cmpi ne, %rem3A_4, %ne3A_5 : vector<2560xi32>
    %lt3A = arith.constant 0 : i32
    %lt3A_7 = vector.broadcast %lt3A : i32 to vector<2560xi32>
    %lt3A_8 = arith.cmpi slt, %rem3A_4, %lt3A_7 : vector<2560xi32>
    %lt3A_9 = arith.constant 0 : i32
    %lt3A_10 = arith.cmpi slt, %select_n3A, %lt3A_9 : i32
    %ne3A_11 = vector.broadcast %lt3A_10 : i1 to vector<2560xi1>
    %ne3A_12 = vector.broadcast %ne3A_11 : vector<2560xi1> to vector<2560xi1>
    %ne3A_13 = arith.xori %lt3A_8, %ne3A_12 : vector<2560xi1>
    %and3A = arith.andi %ne3A_13, %ne3A_6 : vector<2560xi1>
    %add3A = vector.broadcast %select_n3A : i32 to vector<2560xi32>
    %add3A_14 = arith.addi %rem3A_4, %add3A : vector<2560xi32>
    %select_n3A_15 = arith.select %and3A, %add3A_14, %rem3A_4 : vector<2560xi1>, vector<2560xi32>
    %jit3A_16 = arith.constant 4 : i32
    %div3A = vector.broadcast %jit3A_16 : i32 to vector<2560xi32>
    %div3A_17 = arith.divsi %select_n3A_15, %div3A : vector<2560xi32>
    %sign3A = arith.constant 0 : i32
    %sign3A_18 = vector.broadcast %sign3A : i32 to vector<2560xi32>
    %sign3A_19 = arith.cmpi sgt, %select_n3A_15, %sign3A_18 : vector<2560xi32>
    %sign3A_20 = arith.extui %sign3A_19 : vector<2560xi1> to vector<2560xi32>
    %sign3A_21 = arith.constant 0 : i32
    %sign3A_22 = vector.broadcast %sign3A_21 : i32 to vector<2560xi32>
    %sign3A_23 = arith.cmpi slt, %select_n3A_15, %sign3A_22 : vector<2560xi32>
    %sign3A_24 = arith.extui %sign3A_23 : vector<2560xi1> to vector<2560xi32>
    %sign3A_25 = arith.subi %sign3A_20, %sign3A_24 : vector<2560xi32>
    %sign3A_26 = arith.constant 0 : i32
    %sign3A_27 = arith.cmpi sgt, %jit3A_16, %sign3A_26 : i32
    %sign3A_28 = arith.extui %sign3A_27 : i1 to i32
    %sign3A_29 = arith.constant 0 : i32
    %sign3A_30 = arith.cmpi slt, %jit3A_16, %sign3A_29 : i32
    %sign3A_31 = arith.extui %sign3A_30 : i1 to i32
    %sign3A_32 = arith.subi %sign3A_28, %sign3A_31 : i32
    %ne3A_33 = vector.broadcast %sign3A_32 : i32 to vector<2560xi32>
    %ne3A_34 = arith.cmpi ne, %sign3A_25, %ne3A_33 : vector<2560xi32>
    %rem3A_35 = vector.broadcast %jit3A_16 : i32 to vector<2560xi32>
    %rem3A_36 = arith.remsi %select_n3A_15, %rem3A_35 : vector<2560xi32>
    %ne3A_37 = arith.constant 0 : i32
    %ne3A_38 = vector.broadcast %ne3A_37 : i32 to vector<2560xi32>
    %ne3A_39 = arith.cmpi ne, %rem3A_36, %ne3A_38 : vector<2560xi32>
    %and3A_40 = arith.andi %ne3A_34, %ne3A_39 : vector<2560xi1>
    %sub3A = arith.constant 1 : i32
    %sub3A_41 = vector.broadcast %sub3A : i32 to vector<2560xi32>
    %sub3A_42 = arith.subi %div3A_17, %sub3A_41 : vector<2560xi32>
    %select_n3A_43 = arith.select %and3A_40, %sub3A_42, %div3A_17 : vector<2560xi1>, vector<2560xi32>
    %lt3A_44 = arith.constant 17 : i32
    %lt3A_45 = vector.broadcast %lt3A_44 : i32 to vector<2560xi32>
    %lt3A_46 = arith.cmpi slt, %select_n3A_43, %lt3A_45 : vector<2560xi32>
    %neg3A = arith.constant 0.000000e+00 : f32
    %neg3A_47 = vector.broadcast %neg3A : f32 to vector<2560xf32>
    %neg3A_48 = arith.subf %neg3A_47, %get3A_0 : vector<2560xf32>
    %custom_jvp_call3A = arith.constant 0.000000e+00 : f32
    %max3A = vector.broadcast %custom_jvp_call3A : f32 to vector<2560xf32>
    %max3A_49 = arith.maximumf %neg3A_48, %max3A : vector<2560xf32>
    %sub3A_50 = vector.broadcast %custom_jvp_call3A : f32 to vector<2560xf32>
    %sub3A_51 = arith.subf %neg3A_48, %sub3A_50 : vector<2560xf32>
    %ne3A_52 = arith.cmpf one, %sub3A_51, %sub3A_51 : vector<2560xf32>
    %add3A_53 = vector.broadcast %custom_jvp_call3A : f32 to vector<2560xf32>
    %add3A_54 = arith.addf %neg3A_48, %add3A_53 : vector<2560xf32>
    %abs3A = math.absf %sub3A_51 : vector<2560xf32>
    %neg3A_55 = arith.constant 0.000000e+00 : f32
    %neg3A_56 = vector.broadcast %neg3A_55 : f32 to vector<2560xf32>
    %neg3A_57 = arith.subf %neg3A_56, %abs3A : vector<2560xf32>
    %exp3A = math.exp %neg3A_57 : vector<2560xf32>
    %log1p3A = math.log1p %exp3A : vector<2560xf32>
    %add3A_58 = arith.addf %max3A_49, %log1p3A : vector<2560xf32>
    %select_n3A_59 = arith.select %ne3A_52, %add3A_54, %add3A_58 : vector<2560xi1>, vector<2560xf32>
    %jit3A_60 = arith.constant 0.000000e+00 : f32
    %broadcast_in_dim3A = vector.broadcast %jit3A_60 : f32 to vector<2560xf32>
    %select_n3A_61 = arith.select %lt3A_46, %select_n3A_59, %broadcast_in_dim3A : vector<2560xi1>, vector<2560xf32>
    %reduce_sum3A = vector.shape_cast %select_n3A_61 : vector<2560xf32> to vector<1x2560xf32>
    %reduce_sum3A_62 = arith.constant dense<0.000000e+00> : vector<1xf32>
    %reduce_sum3A_63 = vector.multi_reduction <add>, %reduce_sum3A, %reduce_sum3A_62 [1] : vector<1x2560xf32> to vector<1xf32>
    %reduce_sum3A_64 = vector.shape_cast %reduce_sum3A_63 : vector<1xf32> to vector<1x1xf32>
    %reduce_sum3A_65 = vector.extract %reduce_sum3A_64[0, 0] : f32 from vector<1x1xf32>
    %div3A_66 = arith.constant 1.280000e+02 : f32
    %div3A_67 = arith.divf %reduce_sum3A_65, %div3A_66 : f32
    %reshape3A = vector.broadcast %div3A_67 : f32 to vector<1x1xf32>
    %swap3A = arith.constant 0 : index
    %swap3A_68 = arith.constant 0 : index
    %swap3A_69 = vector.load %arg1[%swap3A, %swap3A_68] : memref<1x1xf32, #tpu.memory_space<vmem>>, vector<1x1xf32>
    tpu.vector_store %arg1[%swap3A, %swap3A_68], %reshape3A {strides = array<i32>} : memref<1x1xf32, #tpu.memory_space<vmem>>, vector<1x1xf32>,
    return
  }
}

</mosaic_0001>

<sc_bundles>
// kernel: kernel.4.cloned.1.call-start
scs
__scs_entry_jumppad:
0x0: {  	(pc) =	sbr.rel $0x88, $3  }
0x1: {  	(tag) =	ssettag $0x0;
	lr =	simm.s32 $0x1  }
0x2: {  	[smem:$0x3F9F] =	sst lr;
	_ =	strace $0xD0000000  }
0x3: {  	_ = 	snop  }
0x4: {  	_ = 	snop  }
0x5: {  	_ = 	snop  }
0x6: {  	_ = 	snop  }
0x7: {  	_ = 	snop  }
__scs_overlays_trampoline_lowered:
0x8: {  	[smem:$0x3FAE] =	sst s0  }
0x9: {  	[smem:$0x3FAF] =	sst s1  }
0xa: {  	[smem:$0x3FB0] =	sst s2  }
0xb: {  	[smem:$0x3FB1] =	sst s3  }
0xc: {  	[smem:$0x3FB2] =	sst s4  }
0xd: {  	[smem:$0x3FB3] =	sst s5  }
0xe: {  	[smem:$0x3FB4] =	sst s6  }
0xf: {  	[smem:$0x3FB5] =	sst s7  }
0x10: {  	[smem:$0x3FB6] =	sst s8  }
0x11: {  	[smem:$0x3FB7] =	sst s9;
	s0 =	simm.s32 @!p0 $0x0  }
0x12: {  	s1 =	sld [smem:$0x3F9D];
	s0 =	simm.s32 @p0 $0x1  }
0x13: {  	[smem:$0x3FB8] =	sst s0;
	s0 =	simm.s32 @!p1 $0x0  }
0x14: {  	s2 =	sld [smem:$0x3F9C];
	s0 =	simm.s32 @p1 $0x1  }
0x15: {  	[smem:$0x3FB9] =	sst s0;
	s0 =	simm.s32 @!p2 $0x0  }
0x16: {  	s3 =	sld [smem:$0x3FDB];
	s0 =	simm.s32 @p2 $0x1  }
0x17: {  	s4 =	simm.s32 $0x1BF5;
	[smem:$0x3FBB] =	sst s0  }
0x18: {  	s0 =	sld [smem:$0x3F9E];
	_ =	swait.ge [sflag:s4], $0x0  }
0x19: {  	s7 =	sld [smem:$0x3F9F]  }
0x1a: {  	s8 =	sadd.s32 $0xFFFFE003, lr  }
0x1b: {  	s9 =	sadd.s32 $0xFFFFFEF7, lr;
	s5 =	simm.s32 $0xFFFFFFFF;
	p2 =	slt.u32 s8, $0xFFFFF086  }
0x1c: {  	p1 =	slt.u32 s9, $0xF7A;
	s5 =	simm.s32 @!p2 $0x0  }
0x1d: {  	s5 =	simm.s32 @p1 $0x1;
	p0 =	seq.s32 s7, s2  }
0x1e: {  	s7 =	smul.u32 @!p0 $0xF7A, s2;
	p2 =	seq.s32 @!p0 s5, $0x0  }
0x1f: {  	s9 =	smul.u32 $0xF7A, s1;
	s8 =	simm.s32 @!p0 $0x1BF5;
	p2 =	por !p2, p0  }
0x20: {  	[sflag:s8] =	ssyncset.s32 @!p0 $0xFFFFF086;
	s6 =	sadd.s32 @!p0 s3, s7;
	s7 =	simm.s32 @!p0 $0x108  }
0x21: {  	s3 =	sadd.s32 s3, s9;
	s6 =	sadd.s32 @!p0 $0x88, s6;
	s7 =	simm.s32 @p2 $0x1082  }
0x22: {  	[simem:s7], [sflag:s8] =	dma.local @!p0 [hbm:s6], $0xF7A  }
0x23: {  	s9 =	sor.u32 $0xD0000000, s2;
	s6 =	simm.s32 $0x108;
	_ =	swait.ge @!p0 [sflag:s8], $0x0  }
0x24: {  	s3 =	sadd.s32 $0x88, s3;
	s6 =	simm.s32 @!p1 $0x1082;
	[sflag:s4] =	ssyncset.s32 $0xFFFFF086  }
0x25: {  	[simem:s6], [sflag:s4] =	dma.local [hbm:s3], $0xF7A  }
0x26: {  	[smem:$0x3F9F] =	sst s1;
	(tag) =	ssettag s2;
	_ =	strace s9  }
0x27: {  	s1 =	sld [smem:$0x3FAF]  }
0x28: {  	s2 =	sld [smem:$0x3FB0]  }
0x29: {  	s4 =	sld [smem:$0x3FB2]  }
0x2a: {  	p0 =	seq.s32 s5, $0x0;
	s5 =	sld [smem:$0x3FB3]  }
0x2b: {  	s6 =	sld [smem:$0x3FB4]  }
0x2c: {  	s7 =	sld [smem:$0x3FB5]  }
0x2d: {  	s3 =	simm.s32 $0x108;
	s8 =	sld [smem:$0x3FB6]  }
0x2e: {  	s3 =	simm.s32 @!p0 $0x1082;
	s9 =	sld [smem:$0x3FB7]  }
0x2f: {  	lr =	sadd.s32 s0, s3;
	s0 =	sld [smem:$0x3FAE]  }
0x30: {  	s3 =	sld [smem:$0x3FB1]  }
0x31: {  	[smem:$0x3FBA] =	sst s10  }
0x32: {  	s10 =	sld [smem:$0x3FB8];
	_ =	sdelay $0x3  }
0x33: {  	p0 =	seq.s32 s10, $0x1;
	s10 =	sld [smem:$0x3FBA];
	_ =	sdelay $0x3  }
0x34: {  	[smem:$0x3FBA] =	sst s10  }
0x35: {  	s10 =	sld [smem:$0x3FB9];
	_ =	sdelay $0x3  }
0x36: {  	p1 =	seq.s32 s10, $0x1;
	s10 =	sld [smem:$0x3FBA];
	_ =	sdelay $0x3  }
0x37: {  	[smem:$0x3FBA] =	sst s10  }
0x38: {  	s10 =	sld [smem:$0x3FBB]  }
0x39: {  	_ = 	snop;
	(pc) =	sbr.ind lr, $3  }
0x3a: {  	_ = 	snop  }
0x3b: {  	_ = 	snop  }
0x3c: {  	p2 =	seq.s32 s10, $0x1;
	s10 =	sld [smem:$0x3FBA]  }
0x3d: {  	_ =	shalt  }
0x3e: {  	_ =	shalt  }
0x3f: {  	_ =	shalt  }
0x40: {  	_ =	shalt  }
0x41: {  	_ =	shalt  }
0x42: {  	_ =	shalt  }
0x43: {  	_ =	shalt  }
0x44: {  	_ =	shalt  }
0x45: {  	_ =	shalt  }
0x46: {  	_ =	shalt  }
0x47: {  	_ =	shalt  }
0x48: {  	_ =	shalt  }
0x49: {  	_ =	shalt  }
0x4a: {  	_ =	shalt  }
0x4b: {  	_ =	shalt  }
0x4c: {  	_ =	shalt  }
0x4d: {  	_ =	shalt  }
0x4e: {  	_ =	shalt  }
0x4f: {  	_ =	shalt  }
0x50: {  	_ =	shalt  }
0x51: {  	_ =	shalt  }
0x52: {  	_ =	shalt  }
0x53: {  	_ =	shalt  }
0x54: {  	_ =	shalt  }
0x55: {  	_ =	shalt  }
0x56: {  	_ =	shalt  }
0x57: {  	_ =	shalt  }
0x58: {  	_ =	shalt  }
0x59: {  	_ =	shalt  }
0x5a: {  	_ =	shalt  }
0x5b: {  	_ =	shalt  }
0x5c: {  	_ =	shalt  }
0x5d: {  	_ =	shalt  }
0x5e: {  	_ =	shalt  }
0x5f: {  	_ =	shalt  }
0x60: {  	_ =	shalt  }
0x61: {  	_ =	shalt  }
0x62: {  	_ =	shalt  }
0x63: {  	_ =	shalt  }
0x64: {  	_ =	shalt  }
0x65: {  	_ =	shalt  }
0x66: {  	_ =	shalt  }
0x67: {  	_ =	shalt  }
0x68: {  	_ =	shalt  }
0x69: {  	_ =	shalt  }
0x6a: {  	_ =	shalt  }
0x6b: {  	_ =	shalt  }
0x6c: {  	_ =	shalt  }
0x6d: {  	_ =	shalt  }
0x6e: {  	_ =	shalt  }
0x6f: {  	_ =	shalt  }
0x70: {  	_ =	shalt  }
0x71: {  	_ =	shalt  }
0x72: {  	_ =	shalt  }
0x73: {  	_ =	shalt  }
0x74: {  	_ =	shalt  }
0x75: {  	_ =	shalt  }
0x76: {  	_ =	shalt  }
0x77: {  	_ =	shalt  }
0x78: {  	_ =	shalt  }
0x79: {  	_ =	shalt  }
0x7a: {  	_ =	shalt  }
0x7b: {  	_ =	shalt  }
0x7c: {  	_ =	shalt  }
0x7d: {  	_ =	shalt  }
0x7e: {  	_ =	shalt  }
0x7f: {  	_ =	shalt  }
0x80: {  	_ =	shalt  }
0x81: {  	_ =	shalt  }
0x82: {  	_ =	shalt  }
0x83: {  	_ =	shalt  }
0x84: {  	_ =	shalt  }
0x85: {  	_ =	shalt  }
0x86: {  	_ =	shalt  }
0x87: {  	_ =	shalt  }
.Lfunc_end0:
.L_simem_size_0:
called_computation_lowered:
.L_overlay_start_0:
0x88: {  	s2 =	sld [smem:$0x3FD9]  }
0x89: {  	s3 =	sld [smem:$0x3FFE];
	_ =	sdelay $0x1  }
0x8a: {  	s1 =	srdreg.scid  }
0x8b: {  	s0 =	sand.u32 $0x1, s1  }
0x8c: {  	s17 =	sshll.u32 s0, $0xA;
	s2 =	sadd.s32 s3, s2  }
0x8d: {  	s2 =	sadd.s32 s2, s17  }
0x8e: {  	[smem:$0x3FC6] =	sst s2  }
0x8f: {  	_ = 	snop  }
0x90: {  	s2 =	sld [smem:$0x3FC9]  }
0x91: {  	s18 =	sld [smem:$0x3FC8];
	(tm) =	ssettm $0x1  }
0x92: {  	s4 =	sld [smem:$0x3FFB];
	_ =	sdelay $0x3  }
0x93: {  	_ =	strace s4  }
0x94: {  	s4 =	sld [smem:$0x3FFC];
	_ =	sdelay $0x3  }
0x95: {  	_ =	strace s4  }
0x96: {  	s4 =	sld [smem:$0x3FFD];
	_ =	sdelay $0x3  }
0x97: {  	_ =	strace s4  }
0x98: {  	_ =	strace $0x8FFFFFFF  }
0x99: {  	s19 =	sld [smem:$0x3FDB];
	_ =	sdelay $0x1  }
0x9a: {  	s5 =	simm.s32 $_scs_section_size  }
0x9b: {  	s6 =	simm.s32 $_size__tile_overlayer_lowered;
	s7 =	simm.s32 $_tile_overlayer_lowered  }
0x9c: {  	s22 =	simm.s32 $0x1BFF;
	s21 =	sshll.u32 s7, $0x1;
	s4 =	sadd.s32 s5, s19  }
0x9d: {  	s8 =	simm.s32 $0x0;
	s20 =	sshll.u32 s6, $0x1;
	s6 =	sadd.s32 s21, s4  }
0x9e: {  	[timem:s8], [sflag:s22] =	dma.local [hbm:s6], s20  }
0x9f: {  	_ =	swait.ge [sflag:s22], s20  }
0xa0: {  	s5 =	ssub.s32 $0x0, s20;
	[sflag:s22] =	ssyncset.done $0x0  }
0xa1: {  	[sflag:s22] =	ssyncadd.s32 s5;
	_ =	sdelay $0x1  }
0xa2: {  	s23 =	simm.s32 $0x1B8B  }
0xa3: {  	_ =	swait.ge [sflag:s23], $0x1  }
0xa4: {  	[sflag:s23] =	ssyncset.done $0x0  }
0xa5: {  	s25 =	simm.s32 $0x1B8E;
	s24 =	sld [smem:$0x3FFE];
	[sflag:s23] =	ssyncadd.s32 $0xFFFFFFFF  }
0xa6: {  	s26 =	simm.s32 $execute0_lowered;
	[smem:$0x3FD2] =	sst s25  }
0xa7: {  	s6 =	sshll.u32 s26, $0x1;
	_ =	strace $0x80000046;
	[dreg:$0x1] =	wrdreg $0xFFFFFFFF  }
0xa8: {  	s28 =	simm.s32 $_size_execute0_lowered;
	s4 =	sadd.s32 s4, s6;
	[dreg:$0x0] =	wrdreg $0x0  }
0xa9: {  	s6 =	sshll.u32 s28, $0x1;
	[dreg:$0x2] =	wrdreg s4  }
0xaa: {  	[dreg:$0x3] =	wrdreg s6  }
0xab: {  	[dreg:$0x4] =	wrdreg $0xC0  }
0xac: {  	_ =	task [dreg:s8], $0x5FFFF  }
0xad: {  	[dreg:$0x1] =	wrdreg $0xFFFFFFFF  }
0xae: {  	[dreg:$0x0] =	wrdreg $0x60  }
0xaf: {  	[dreg:$0x2] =	wrdreg s2  }
0xb0: {  	[dreg:$0x3] =	wrdreg s18  }
0xb1: {  	[dreg:$0x4] =	wrdreg s24  }
0xb2: {  	[dreg:$0x5] =	wrdreg $0x9  }
0xb3: {  	_ =	task.clear_ibuf [dreg:s8], $0x6FFFF;
	_ =	strace $0x90000046  }
0xb4: {  	s29 =	simm.s32 $0x9;
	_ =	strace $0x80000048  }
0xb5: {  	_ =	swait.ge [sflag:s29], $0x1  }
0xb6: {  	[sflag:s29] =	ssyncadd.s32 $0xFFFFFFFF  }
0xb7: {  	_ =	strace $0x90000048  }
0xb8: {  	_ =	sfence  }
0xb9: {  	s30 =	sld [smem:$0x0];
	_ =	sdelay $0x2  }
0xba: {  	s31 =	sshll.u32 s1, $0xD;
	s1 =	sshrl.u32 s1, $0x2  }
0xbb: {  	s3 =	sand.u32 $0x4000, s31;
	s1 =	sadd.s32 s1, s30  }
0xbc: {  	s0 =	sor.u32 s3, s0;
	s1 =	sshll.u32 s1, $0x11  }
0xbd: {  	s0 =	sor.u32 s1, s0  }
0xbe: {  	s0 =	sadd.s32 $0x8F2B, s0  }
0xbf: {  	[sflag:s0] =	ssyncadd.remote.s32 $0x1  }
0xc0: {  	_ =	sfence.sel $0xFFFF  }
0xc1: {  	[dreg:$0x0] =	wrdreg $0xFFFFFFFF;
	(pc) =	sbr.abs _section_cstart, $3  }
0xc2: {  	[dreg:$0x1] =	wrdreg $0xFFFFFFFF  }
0xc3: {  	_ =	task.clear_ibuf [dreg:s8], $0x2FFFF;
	_ =	strace $0x9FFFFFFF  }
0xc4: {  	(tm) =	ssettm $0x7FFFFFFF  }
0xc5: {  	_ =	shalt  }
tec
execute0_lowered:
.L_overlay_start_1:
0x0: {  	(tag) =	ssettag $0x1  }
0x1: {  	s2 =	rddreg [dreg:$0x0]  }
0x2: {  	s1 =	srdreg.scid;
	s4 =	rddreg [dreg:$0x1]  }
0x3: {  	s0 =	stileid.u32;
	s9 =	rddreg [dreg:$0x2]  }
0x4: {  	s3 =	simm.s32 $0x0;
	s7 =	sand.u32 $0x1, s1;
	s1 =	rddreg [dreg:$0x3]  }
0x5: {  	s31 =	sshll.u32 s0, $0x1;
	[smem:$0x7FF] =	sst s3;
	s5 =	sand.u32 $0xE, s0  }
0x6: {  	_ =	strace $0x80000047;
	s5 =	sadd.s32 s4, s5;
	s4 =	simm.s32 $0x2  }
0x7: {  	v2 =	vlaneseq.u32;
	vm0 =	vcmask $0xF00;
	[tilespmem:s3], [sflag:$0x2] =	stream.linear.gather [hbm4b:s5+s3], $0x10, $0x38;
	[tilespmem:$0x180] =	vst v63  }
0x8: {  	vm1 =	vcmask $0x1F10;
	vm2 =	vcmask $0x2F20;
	v4 =	vimm.s32 $0x3FFF80;
	s6 =	sor.u32 s7, s31;
	_ =	swait.ge [sflag:s4], $0x10  }
0x9: {  	v6 =	vimm.s32 $0x3FF80;
	v7 =	vimm.s32 $0x3F80;
	v0 =	vmov s6;
	[sflag:s4] =	ssyncset.done $0x0  }
0xa: {  	v3 =	vand.u32 $0x3, v2;
	v2 =	vshrl.u32 v2, $0x2;
	v0 =	vshll.u32 v0, $0x2;
	[sflag:s4] =	ssyncadd.s32 $0xFFFFFFF0  }
0xb: {  	v4 =	vsel vm0, $0x7FF80, v4;
	v6 =	vsel vm0, $0x7F80, v6;
	v1 =	vbroadcast v0, $0x0;
	v5 =	vld [tilespmem:$0x0]  }
0xc: {  	v7 =	vsel vm0, $0x780, v7;
	v9 =	vmul.u32 $0xFFFFFFFF, v2;
	v4 =	vsel vm1, $0xFFF80, v4  }
0xd: {  	v6 =	vsel vm1, $0xFF80, v6;
	v7 =	vsel vm1, $0xF80, v7;
	v0 =	vand.u32 $0xC, v1  }
0xe: {  	v1 =	vor.u32 v3, v1;
	v0 =	vor.u32 v3, v0;
	v3 =	vimm.s32 $0x380  }
0xf: {  	v4 =	vsel vm2, $0x1FFF80, v4;
	v8 =	vadd.s32 $0x8, v9;
	v2 =	vsel vm0, $0x0, v3  }
0x10: {  	v3 =	vsel vm1, $0x80, v2;
	v2 =	vadd.s32 $0x10, v9;
	v10 =	vperm.xlane v5, v0  }
0x11: {  	v3 =	vsel vm2, $0x180, v3;
	v5 =	vsel vm2, $0x1FF80, v6;
	v6 =	vsel vm2, $0x1F80, v7  }
0x12: {  	v7 =	vadd.s32 $0xC, v9;
	v9 =	vadd.s32 $0x4, v9;
	v11 =	vshrl.u32 v10, v2  }
0x13: {  	v12 =	vshrl.u32 v10, v7;
	v13 =	vand.u32 $0x1, v10;
	v14 =	vshrl.u32 v10, v9  }
0x14: {  	v10 =	vshrl.u32 v10, v8;
	v11 =	vand.u32 $0x1, v11;
	v12 =	vand.u32 $0x1, v12  }
0x15: {  	s7 =	ssub.s32 $0x2, s7;
	v13 =	vadd.s32 $0xFFFF, v13;
	v14 =	vand.u32 $0x1, v14;
	v11 =	vshll.u32 v11, $0x7  }
0x16: {  	s8 =	sshrl.u32 s7, $0x1;
	v10 =	vand.u32 $0x1, v10;
	v12 =	vshll.u32 v12, $0x7;
	v11 =	vadd.s32 v3, v11  }
0x17: {  	s7 =	ssub.s32 s7, s8;
	v10 =	vshll.u32 v10, $0x7;
	v12 =	vadd.s32 v6, v12;
	v11 =	vadd.s32 v1, v11  }
0x18: {  	s11 =	smax.u32 s7, $0x1;
	v14 =	vshll.u32 v14, $0x7;
	v10 =	vadd.s32 v5, v10;
	v12 =	vadd.s32 v1, v12;
	[tilespmem:$0x80] =	vst v11  }
0x19: {  	s10 =	smul.u32 $0xA, s6;
	p0 =	sne.s32 s11, $0x1;
	v13 =	vshll.u32 v13, $0x7;
	v10 =	vadd.s32 v1, v10;
	v11 =	vadd.s32 v4, v14;
	[tilespmem:$0x90] =	vst v12  }
.Ltmp0:
0x1a: {  	vm0 =	vmmov $0xf;
	v63 =	vadd.s32 v1, v13;
	[tilespmem:$0xA0] =	vst v10;
	v11 =	vadd.s32 v1, v11;
	(pc) =	sbr.rel @!p0 .LBB2_2-.Ltmp0, $4  }
0x1b: {  	s6 =	simm.s32 $0x100;
	s8 =	simm.s32 $0x80;
	[tilespmem:$0xB0] =	vst v11;
	v11 =	vnsel vm0, $0x0, v63  }
0x1c: {  	s7 =	simm.s32 $0x50;
	s10 =	sadd.s32 s10, s9;
	s9 =	simm.s32 $0x1;
	[tilespmem:$0xC0] =	vst v11  }
0x1d: {  	[tilespmem:s6], [sflag:$0x1] =	stream.indirect.gather [hbm4b:s2+s7], $0x1, s8, s7, $0xb8;
	[tilespmem:$0x180] =	vst v63  }
0x1e: {  	s10 =	sadd.s32 $0x600, s10;
	s11 =	sadd.s32 $0xFFFFFFFF, s11;
	_ =	swait.ge [sflag:s9], $0x50  }
.LBB2_1:
0x1f: {  	p0 =	sne.s32 s11, $0x1;
	s11 =	sadd.s32 $0xFFFFFFFF, s11;
	[sflag:s9] =	ssyncset.done $0x0  }
0x20: {  	[sflag:s9] =	ssyncadd.s32 $0xFFFFFFB0  }
0x21: {  	[hbm4b:s10+s3] =	stream.linear.scatter [tilespmem:s6], [sflag:$0x2], $0x50, $0x38;
	[tilespmem:$0x180] =	vst v63  }
0x22: {  	_ =	swait.ge [sflag:s4], $0x50  }
0x23: {  	[sflag:s4] =	ssyncset.done $0x0  }
0x24: {  	[sflag:s4] =	ssyncadd.s32 $0xFFFFFFB0  }
0x25: {  	[tilespmem:s3], [sflag:$0x2] =	stream.linear.gather [hbm4b:s5+s3], $0x10, $0x38;
	[tilespmem:$0x180] =	vst v63  }
0x26: {  	_ =	swait.ge [sflag:s4], $0x10  }
0x27: {  	[sflag:s4] =	ssyncset.done $0x0  }
0x28: {  	[sflag:s4] =	ssyncadd.s32 $0xFFFFFFF0  }
0x29: {  	v10 =	vld [tilespmem:$0x0];
	_ =	sdelay $0x4  }
0x2a: {  	v10 =	vperm.xlane v10, v0;
	_ =	sdelay $0x1  }
0x2b: {  	v11 =	vshrl.u32 v10, v2;
	v12 =	vshrl.u32 v10, v7;
	v13 =	vand.u32 $0x1, v10  }
0x2c: {  	v14 =	vshrl.u32 v10, v9;
	v11 =	vand.u32 $0x1, v11;
	v12 =	vand.u32 $0x1, v12  }
0x2d: {  	v10 =	vshrl.u32 v10, v8;
	v11 =	vshll.u32 v11, $0x7;
	v12 =	vshll.u32 v12, $0x7  }
0x2e: {  	v13 =	vadd.s32 $0xFFFF, v13;
	v11 =	vadd.s32 v3, v11;
	v12 =	vadd.s32 v6, v12  }
0x2f: {  	v14 =	vand.u32 $0x1, v14;
	v11 =	vadd.s32 v1, v11;
	v12 =	vadd.s32 v1, v12  }
0x30: {  	v10 =	vand.u32 $0x1, v10;
	v13 =	vshll.u32 v13, $0x7;
	[tilespmem:$0x80] =	vst v11;
	v11 =	vshll.u32 v14, $0x7  }
0x31: {  	v10 =	vshll.u32 v10, $0x7;
	[tilespmem:$0x90] =	vst v12;
	v11 =	vadd.s32 v4, v11;
	v12 =	vadd.s32 v1, v13  }
0x32: {  	v10 =	vadd.s32 v5, v10;
	v11 =	vadd.s32 v1, v11;
	v12 =	vnsel vm0, $0x0, v12  }
.Ltmp1:
0x33: {  	v10 =	vadd.s32 v1, v10;
	[tilespmem:$0xB0] =	vst v11;
	(pc) =	sbr.rel @p0 .LBB2_1-.Ltmp1, $4  }
0x34: {  	[tilespmem:$0xA0] =	vst v10  }
0x35: {  	[tilespmem:$0xC0] =	vst v12  }
0x36: {  	[tilespmem:s6], [sflag:$0x1] =	stream.indirect.gather [hbm4b:s2+s7], $0x1, s8, s7, $0xb8;
	[tilespmem:$0x180] =	vst v63  }
0x37: {  	_ =	swait.ge [sflag:s9], $0x50  }
.LBB2_2:
0x38: {  	[sflag:s9] =	ssyncset.done $0x0  }
0x39: {  	[sflag:s9] =	ssyncadd.s32 $0xFFFFFFB0  }
0x3a: {  	[hbm4b:s10+s3] =	stream.linear.scatter [tilespmem:s6], [sflag:$0x2], $0x50, $0x38;
	[tilespmem:$0x180] =	vst v63  }
0x3b: {  	_ =	swait.ge [sflag:s4], $0x50  }
0x3c: {  	[sflag:s4] =	ssyncset.done $0x0  }
0x3d: {  	[sflag:s4] =	ssyncadd.s32 $0xFFFFFFB0  }
0x3e: {  	_ =	sfence.sel $0x180000  }
0x3f: {  	[bflag:$0x0] =	sbarrier.arrive $0xFFFF  }
0x40: {  	p0 =	sne.s32 s0, $0x0;
	_ =	strace $0x90000047  }
0x41: {  	s0 =	sadd.s32 @!p0 $0x100000, s1;
	[bflag:$0x2] =	sbarrier.arrive $0xFFFF  }
0x42: {  	[sflag:s0] =	ssyncadd.tile.s32 @!p0 $0x1;
	_ =	shalt  }
.Lfunc_end2:
_tile_overlayer_lowered:
.L_overlay_start_2:
0x43: {  	(tag) =	ssettag $0x2  }
0x44: {  	s0 =	rddreg [dreg:$0x0];
	s2 =	stileid.u32  }
0x45: {  	s1 =	rddreg [dreg:$0x1];
	p0 =	sne.s32 s2, $0x0  }
0x46: {  	s3 =	rddreg [dreg:$0x2];
	[bflag:$0x3] =	sbarrier.arrive $0xFFFF;
	s2 =	simm.s32 @!p0 $0x1C02  }
0x47: {  	[timem:s3], [sflag:s2] =	dma.local @!p0 [hbm:s0], s1  }
0x48: {  	s0 =	simm.s32 @!p0 $0x2  }
0x49: {  	_ =	swait.ge @!p0 [sflag:s0], s1  }
0x4a: {  	s1 =	ssub.s32 @!p0 $0x0, s1;
	[sflag:s0] =	ssyncset.done @!p0 $0x0  }
0x4b: {  	[sflag:s0] =	ssyncadd.s32 @!p0 s1  }
0x4c: {  	[bflag:$0x3] =	sbarrier.arrive $0xFFFF  }
0x4d: {  	_ =	shalt  }

</sc_bundles>
